<compile_context>
chip_gen: v7x
topology: tpu7x:2x2x1
jax: 0.10.2.dev20260603
libtpu: 0.0.44.dev20260713+nightly
codegen_flags: <defaults>
</compile_context>

<pallas_src>
import jax
import jax.numpy as jnp
from jax.experimental import pallas as pl

EPS = 1e-06
K = 32


def _stats_body(ref_ref, sum_ref, sq_ref):
    i = pl.program_id(0)
    blk = ref_ref[...]
    s = jnp.sum(blk, axis=0, keepdims=True)
    q = jnp.sum(blk * blk, axis=0, keepdims=True)

    @pl.when(i == 0)
    def _():
        sum_ref[...] = s
        sq_ref[...] = q

    @pl.when(i > 0)
    def _():
        sum_ref[...] += s
        sq_ref[...] += q


def kernel(target_embeddings, reference_embeddings, target_domains, reference_domains, exclude_self):
    Q, D = target_embeddings.shape
    N, _ = reference_embeddings.shape
    NB = 16
    ssum, ssq = pl.pallas_call(
        _stats_body,
        grid=(NB,),
        in_specs=[pl.BlockSpec((N // NB, D), lambda i: (i, 0))],
        out_specs=(
            pl.BlockSpec((1, D), lambda i: (0, 0)),
            pl.BlockSpec((1, D), lambda i: (0, 0)),
        ),
        out_shape=(
            jax.ShapeDtypeStruct((1, D), jnp.float32),
            jax.ShapeDtypeStruct((1, D), jnp.float32),
        ),
    )(reference_embeddings)
    mean = ssum / N
    var = jnp.maximum(ssq / N - mean * mean, 0.0)
    std = jnp.sqrt(var)
    std = jnp.where(std > 0, std, jnp.ones_like(std))
    scaled_ref = (reference_embeddings - mean) / std
    scaled_tgt = (target_embeddings - mean) / std

    a2 = jnp.sum(scaled_tgt * scaled_tgt, axis=1, keepdims=True)
    b2 = jnp.sum(scaled_ref * scaled_ref, axis=1, keepdims=True)
    d2 = a2 + b2.T - 2.0 * (scaled_tgt @ scaled_ref.T)
    distances = jnp.sqrt(jnp.maximum(d2, 1e-12))
    if Q == N:
        penalty = jnp.where(exclude_self != 0, 1000000.0, 0.0)
        distances = distances + penalty * jnp.eye(Q, N, dtype=distances.dtype)
    neg_top, top_indices = jax.lax.top_k(-distances, K)
    top_distances = -neg_top
    raw_weights = 1.0 / jnp.maximum(top_distances, EPS)
    proto_weights = raw_weights / jnp.sum(raw_weights, axis=1, keepdims=True)
    neighbor_embeddings = reference_embeddings[top_indices]
    prototypes = jnp.sum(proto_weights[..., None] * neighbor_embeddings, axis=1)
    delta = target_embeddings - prototypes
    abs_delta = jnp.abs(delta)
    top1 = top_distances[:, 0]
    mean_distance = jnp.sum(proto_weights * top_distances, axis=1)
    std_distance = jnp.sqrt(jnp.maximum(jnp.sum(proto_weights * jnp.square(top_distances - mean_distance[:, None]), axis=1), 1e-12))
    same = (reference_domains[top_indices] == target_domains[:, None]).astype(jnp.float32)
    same_domain_rate = jnp.mean(same, axis=1)
    return (prototypes, delta, abs_delta, top1, mean_distance, std_distance, top_indices, top_distances, proto_weights, same_domain_rate)

# --- scband reference (transcript-rebuilt; emitter-appended) ---
"""Pipeline reference for scband-sparse-residual-mo-e-81999515615502 (READ-ONLY COPY).

The authoritative reference and input builder live on the scoring server;
editing this copy changes nothing except your own understanding.
"""

import jax, jax.numpy as jnp
import numpy as np

EPS = 1e-06
PROTO_TOP_K = 32


def _cdist(a, b):
    a2 = jnp.sum(a * a, axis=1, keepdims=True)
    b2 = jnp.sum(b * b, axis=1, keepdims=True)
    d2 = a2 + b2.T - 2.0 * (a @ b.T)
    return jnp.sqrt(jnp.maximum(d2, 1e-12))


def setup_inputs(seed: int = 0) -> dict:
    key = jax.random.key(seed)
    k1, k2, k3, k4 = jax.random.split(key, 4)
    target_embeddings = jax.random.normal(k1, (1024, 64), dtype=jnp.float32)
    reference_embeddings = jax.random.normal(k2, (65536, 64), dtype=jnp.float32)
    target_domains = jax.random.randint(k3, (1024,), 0, 8)
    reference_domains = jax.random.randint(k4, (65536,), 0, 8)
    return {
        "target_embeddings": target_embeddings,
        "reference_embeddings": reference_embeddings,
        "target_domains": target_domains,
        "reference_domains": reference_domains,
        "exclude_self": 0,
    }


def reference(target_embeddings, reference_embeddings, target_domains, reference_domains, exclude_self):
    mean = jnp.mean(reference_embeddings, axis=0, keepdims=True)
    std = jnp.std(reference_embeddings, axis=0, keepdims=True)  # unbiased=False
    std = jnp.where(std > 0, std, jnp.ones_like(std))
    scaled_ref = (reference_embeddings - mean) / std
    scaled_tgt = (target_embeddings - mean) / std
    distances = _cdist(scaled_tgt, scaled_ref)
    shapes_match = target_embeddings.shape[0] == reference_embeddings.shape[0]
    penalty = jnp.where(jnp.logical_and(exclude_self != 0, shapes_match), 1000000.0, 0.0)
    distances = distances + penalty * jnp.eye(distances.shape[0], distances.shape[1], dtype=distances.dtype)
    neighbor_count = min(PROTO_TOP_K, reference_embeddings.shape[0])
    neg_top, top_indices = jax.lax.top_k(-distances, neighbor_count)  # smallest distances, ascending
    top_distances = -neg_top
    raw_weights = 1.0 / jnp.maximum(top_distances, EPS)
    proto_weights = raw_weights / jnp.sum(raw_weights, axis=1, keepdims=True)
    neighbor_embeddings = reference_embeddings[top_indices]  # gather [Q, K, D]
    prototypes = jnp.sum(proto_weights[..., None] * neighbor_embeddings, axis=1)
    delta = target_embeddings - prototypes
    abs_delta = jnp.abs(delta)
    top1 = top_distances[:, 0]
    mean_distance = jnp.sum(proto_weights * top_distances, axis=1)
    std_distance = jnp.sqrt(jnp.maximum(jnp.sum(proto_weights * jnp.square(top_distances - mean_distance[:, None]), axis=1), 1e-12))
    same = (reference_domains[top_indices] == target_domains[:, None]).astype(jnp.float32)
    same_domain_rate = jnp.mean(same, axis=1)
    return (prototypes, delta, abs_delta, top1, mean_distance, std_distance, top_indices, top_distances, proto_weights, same_domain_rate)

if __name__ == "__main__":
    import jax
    _d = setup_inputs()
    print(jax.jit(kernel)(*tuple(_d.values())))

</pallas_src>

<mosaic_0001>
module attributes {stable_mosaic.version = 14 : i64} {
  func.func @_stats_body(%arg0: i32, %arg1: memref<4096x64xf32, #tpu.memory_space<vmem>>, %arg2: memref<1x64xf32, #tpu.memory_space<vmem>>, %arg3: memref<1x64xf32, #tpu.memory_space<vmem>>) attributes {dimension_semantics = [#tpu.dimension_semantics<arbitrary>], iteration_bounds = array<i64: 16>, scalar_prefetch = 0 : i64, scratch_operands = 0 : i64, tpu.core_type = #tpu.core_type<tc>, window_params = [{transform_indices = @transform_0, window_bounds = array<i64: 4096, 64>}, {pipeline_mode = #tpu.pipeline_mode<synchronous>, transform_indices = @transform_1, window_bounds = array<i64: 1, 64>}, {pipeline_mode = #tpu.pipeline_mode<synchronous>, transform_indices = @transform_2, window_bounds = array<i64: 1, 64>}]} {
    %get3A = arith.constant 0 : index
    %get3A_0 = arith.constant 0 : index
    %get3A_1 = vector.load %arg1[%get3A, %get3A_0] : memref<4096x64xf32, #tpu.memory_space<vmem>>, vector<4096x64xf32>
    %reduce_sum3A = arith.constant dense<0.000000e+00> : vector<64xf32>
    %reduce_sum3A_2 = vector.multi_reduction <add>, %get3A_1, %reduce_sum3A [0] : vector<4096x64xf32> to vector<64xf32>
    %broadcast_in_dim3A = vector.shape_cast %reduce_sum3A_2 : vector<64xf32> to vector<1x64xf32>
    %mul3A = arith.mulf %get3A_1, %get3A_1 : vector<4096x64xf32>
    %reduce_sum3A_3 = arith.constant dense<0.000000e+00> : vector<64xf32>
    %reduce_sum3A_4 = vector.multi_reduction <add>, %mul3A, %reduce_sum3A_3 [0] : vector<4096x64xf32> to vector<64xf32>
    %broadcast_in_dim3A_5 = vector.shape_cast %reduce_sum3A_4 : vector<64xf32> to vector<1x64xf32>
    %eq3A = arith.constant 0 : i32
    %eq3A_6 = arith.cmpi eq, %arg0, %eq3A : i32
    %convert_element_type3A = arith.extui %eq3A_6 : i1 to i32
    %cond3A = arith.constant 0 : i32
    %cond3A_7 = arith.cmpi ne, %convert_element_type3A, %cond3A : i32
    scf.if %cond3A_7 {
      %swap3A = arith.constant 0 : index
      %swap3A_12 = arith.constant 0 : index
      %swap3A_13 = vector.load %arg2[%swap3A, %swap3A_12] : memref<1x64xf32, #tpu.memory_space<vmem>>, vector<1x64xf32>
      tpu.vector_store %arg2[%swap3A, %swap3A_12], %broadcast_in_dim3A {strides = array<i32>} : memref<1x64xf32, #tpu.memory_space<vmem>>, vector<1x64xf32>,
      %swap3A_14 = arith.constant 0 : index
      %swap3A_15 = arith.constant 0 : index
      %swap3A_16 = vector.load %arg3[%swap3A_14, %swap3A_15] : memref<1x64xf32, #tpu.memory_space<vmem>>, vector<1x64xf32>
      tpu.vector_store %arg3[%swap3A_14, %swap3A_15], %broadcast_in_dim3A_5 {strides = array<i32>} : memref<1x64xf32, #tpu.memory_space<vmem>>, vector<1x64xf32>,
    } else {
    }
    %gt3A = arith.constant 0 : i32
    %gt3A_8 = arith.cmpi sgt, %arg0, %gt3A : i32
    %convert_element_type3A_9 = arith.extui %gt3A_8 : i1 to i32
    %cond3A_10 = arith.constant 0 : i32
    %cond3A_11 = arith.cmpi ne, %convert_element_type3A_9, %cond3A_10 : i32
    scf.if %cond3A_11 {
      %get3A_12 = arith.constant 0 : index
      %get3A_13 = arith.constant 0 : index
      %get3A_14 = vector.load %arg2[%get3A_12, %get3A_13] : memref<1x64xf32, #tpu.memory_space<vmem>>, vector<1x64xf32>
      %add3A = arith.addf %get3A_14, %broadcast_in_dim3A : vector<1x64xf32>
      %swap3A = arith.constant 0 : index
      %swap3A_15 = arith.constant 0 : index
      %swap3A_16 = vector.load %arg2[%swap3A, %swap3A_15] : memref<1x64xf32, #tpu.memory_space<vmem>>, vector<1x64xf32>
      tpu.vector_store %arg2[%swap3A, %swap3A_15], %add3A {strides = array<i32>} : memref<1x64xf32, #tpu.memory_space<vmem>>, vector<1x64xf32>,
      %get3A_17 = arith.constant 0 : index
      %get3A_18 = arith.constant 0 : index
      %get3A_19 = vector.load %arg3[%get3A_17, %get3A_18] : memref<1x64xf32, #tpu.memory_space<vmem>>, vector<1x64xf32>
      %add3A_20 = arith.addf %get3A_19, %broadcast_in_dim3A_5 : vector<1x64xf32>
      %swap3A_21 = arith.constant 0 : index
      %swap3A_22 = arith.constant 0 : index
      %swap3A_23 = vector.load %arg3[%swap3A_21, %swap3A_22] : memref<1x64xf32, #tpu.memory_space<vmem>>, vector<1x64xf32>
      tpu.vector_store %arg3[%swap3A_21, %swap3A_22], %add3A_20 {strides = array<i32>} : memref<1x64xf32, #tpu.memory_space<vmem>>, vector<1x64xf32>,
    } else {
    }
    return
  }
  func.func @transform_0(%arg0: i32) -> (i32, i32) {
    %c0_i32 = arith.constant 0 : i32
    %c0_i32_0 = arith.constant 0 : i32
    return %arg0, %c0_i32 : i32, i32
  }
  func.func @transform_1(%arg0: i32) -> (i32, i32) {
    %c0_i32 = arith.constant 0 : i32
    %c0_i32_0 = arith.constant 0 : i32
    %c0_i32_1 = arith.constant 0 : i32
    return %c0_i32, %c0_i32_0 : i32, i32
  }
  func.func @transform_2(%arg0: i32) -> (i32, i32) {
    %c0_i32 = arith.constant 0 : i32
    %c0_i32_0 = arith.constant 0 : i32
    %c0_i32_1 = arith.constant 0 : i32
    return %c0_i32, %c0_i32_0 : i32, i32
  }
}

</mosaic_0001>

<sc_bundles>
// kernel: gather_offload_async_start.1
scs
__scs_entry_jumppad:
0x0: {  	(pc) =	sbr.rel $0x88, $3  }
0x1: {  	(tag) =	ssettag $0x0;
	lr =	simm.s32 $0x1  }
0x2: {  	[smem:$0x3F9D] =	sst lr;
	_ =	strace $0xD0000000  }
0x3: {  	_ = 	snop  }
0x4: {  	_ = 	snop  }
0x5: {  	_ = 	snop  }
0x6: {  	_ = 	snop  }
0x7: {  	_ = 	snop  }
__scs_overlays_trampoline_lowered:
0x8: {  	[smem:$0x3FAC] =	sst s0  }
0x9: {  	[smem:$0x3FAD] =	sst s1  }
0xa: {  	[smem:$0x3FAE] =	sst s2  }
0xb: {  	[smem:$0x3FAF] =	sst s3  }
0xc: {  	[smem:$0x3FB0] =	sst s4  }
0xd: {  	[smem:$0x3FB1] =	sst s5  }
0xe: {  	[smem:$0x3FB2] =	sst s6  }
0xf: {  	[smem:$0x3FB3] =	sst s7  }
0x10: {  	[smem:$0x3FB4] =	sst s8  }
0x11: {  	[smem:$0x3FB5] =	sst s9;
	s0 =	simm.s32 @!p0 $0x0  }
0x12: {  	s1 =	sld [smem:$0x3F9B];
	s0 =	simm.s32 @p0 $0x1  }
0x13: {  	[smem:$0x3FB6] =	sst s0;
	s0 =	simm.s32 @!p1 $0x0  }
0x14: {  	s2 =	sld [smem:$0x3F9A];
	s0 =	simm.s32 @p1 $0x1  }
0x15: {  	[smem:$0x3FB7] =	sst s0;
	s0 =	simm.s32 @!p2 $0x0  }
0x16: {  	s3 =	sld [smem:$0x3FDB];
	s0 =	simm.s32 @p2 $0x1  }
0x17: {  	s4 =	simm.s32 $0x1BF5;
	[smem:$0x3FB9] =	sst s0  }
0x18: {  	s0 =	sld [smem:$0x3F9C];
	_ =	swait.ge [sflag:s4], $0x0  }
0x19: {  	s7 =	sld [smem:$0x3F9D]  }
0x1a: {  	s8 =	sadd.s32 $0xFFFFE003, lr  }
0x1b: {  	s9 =	sadd.s32 $0xFFFFFEF7, lr;
	s5 =	simm.s32 $0xFFFFFFFF;
	p2 =	slt.u32 s8, $0xFFFFF086  }
0x1c: {  	p1 =	slt.u32 s9, $0xF7A;
	s5 =	simm.s32 @!p2 $0x0  }
0x1d: {  	s5 =	simm.s32 @p1 $0x1;
	p0 =	seq.s32 s7, s2  }
0x1e: {  	s7 =	smul.u32 @!p0 $0xF7A, s2;
	p2 =	seq.s32 @!p0 s5, $0x0  }
0x1f: {  	s9 =	smul.u32 $0xF7A, s1;
	s8 =	simm.s32 @!p0 $0x1BF5;
	p2 =	por !p2, p0  }
0x20: {  	[sflag:s8] =	ssyncset.s32 @!p0 $0xFFFFF086;
	s6 =	sadd.s32 @!p0 s3, s7;
	s7 =	simm.s32 @!p0 $0x108  }
0x21: {  	s3 =	sadd.s32 s3, s9;
	s6 =	sadd.s32 @!p0 $0x88, s6;
	s7 =	simm.s32 @p2 $0x1082  }
0x22: {  	[simem:s7], [sflag:s8] =	dma.local @!p0 [hbm:s6], $0xF7A  }
0x23: {  	s9 =	sor.u32 $0xD0000000, s2;
	s6 =	simm.s32 $0x108;
	_ =	swait.ge @!p0 [sflag:s8], $0x0  }
0x24: {  	s3 =	sadd.s32 $0x88, s3;
	s6 =	simm.s32 @!p1 $0x1082;
	[sflag:s4] =	ssyncset.s32 $0xFFFFF086  }
0x25: {  	[simem:s6], [sflag:s4] =	dma.local [hbm:s3], $0xF7A  }
0x26: {  	[smem:$0x3F9D] =	sst s1;
	(tag) =	ssettag s2;
	_ =	strace s9  }
0x27: {  	s1 =	sld [smem:$0x3FAD]  }
0x28: {  	s2 =	sld [smem:$0x3FAE]  }
0x29: {  	s4 =	sld [smem:$0x3FB0]  }
0x2a: {  	p0 =	seq.s32 s5, $0x0;
	s5 =	sld [smem:$0x3FB1]  }
0x2b: {  	s6 =	sld [smem:$0x3FB2]  }
0x2c: {  	s7 =	sld [smem:$0x3FB3]  }
0x2d: {  	s3 =	simm.s32 $0x108;
	s8 =	sld [smem:$0x3FB4]  }
0x2e: {  	s3 =	simm.s32 @!p0 $0x1082;
	s9 =	sld [smem:$0x3FB5]  }
0x2f: {  	lr =	sadd.s32 s0, s3;
	s0 =	sld [smem:$0x3FAC]  }
0x30: {  	s3 =	sld [smem:$0x3FAF]  }
0x31: {  	[smem:$0x3FB8] =	sst s10  }
0x32: {  	s10 =	sld [smem:$0x3FB6];
	_ =	sdelay $0x3  }
0x33: {  	p0 =	seq.s32 s10, $0x1;
	s10 =	sld [smem:$0x3FB8];
	_ =	sdelay $0x3  }
0x34: {  	[smem:$0x3FB8] =	sst s10  }
0x35: {  	s10 =	sld [smem:$0x3FB7];
	_ =	sdelay $0x3  }
0x36: {  	p1 =	seq.s32 s10, $0x1;
	s10 =	sld [smem:$0x3FB8];
	_ =	sdelay $0x3  }
0x37: {  	[smem:$0x3FB8] =	sst s10  }
0x38: {  	s10 =	sld [smem:$0x3FB9]  }
0x39: {  	_ = 	snop;
	(pc) =	sbr.ind lr, $3  }
0x3a: {  	_ = 	snop  }
0x3b: {  	_ = 	snop  }
0x3c: {  	p2 =	seq.s32 s10, $0x1;
	s10 =	sld [smem:$0x3FB8]  }
0x3d: {  	_ =	shalt  }
0x3e: {  	_ =	shalt  }
0x3f: {  	_ =	shalt  }
0x40: {  	_ =	shalt  }
0x41: {  	_ =	shalt  }
0x42: {  	_ =	shalt  }
0x43: {  	_ =	shalt  }
0x44: {  	_ =	shalt  }
0x45: {  	_ =	shalt  }
0x46: {  	_ =	shalt  }
0x47: {  	_ =	shalt  }
0x48: {  	_ =	shalt  }
0x49: {  	_ =	shalt  }
0x4a: {  	_ =	shalt  }
0x4b: {  	_ =	shalt  }
0x4c: {  	_ =	shalt  }
0x4d: {  	_ =	shalt  }
0x4e: {  	_ =	shalt  }
0x4f: {  	_ =	shalt  }
0x50: {  	_ =	shalt  }
0x51: {  	_ =	shalt  }
0x52: {  	_ =	shalt  }
0x53: {  	_ =	shalt  }
0x54: {  	_ =	shalt  }
0x55: {  	_ =	shalt  }
0x56: {  	_ =	shalt  }
0x57: {  	_ =	shalt  }
0x58: {  	_ =	shalt  }
0x59: {  	_ =	shalt  }
0x5a: {  	_ =	shalt  }
0x5b: {  	_ =	shalt  }
0x5c: {  	_ =	shalt  }
0x5d: {  	_ =	shalt  }
0x5e: {  	_ =	shalt  }
0x5f: {  	_ =	shalt  }
0x60: {  	_ =	shalt  }
0x61: {  	_ =	shalt  }
0x62: {  	_ =	shalt  }
0x63: {  	_ =	shalt  }
0x64: {  	_ =	shalt  }
0x65: {  	_ =	shalt  }
0x66: {  	_ =	shalt  }
0x67: {  	_ =	shalt  }
0x68: {  	_ =	shalt  }
0x69: {  	_ =	shalt  }
0x6a: {  	_ =	shalt  }
0x6b: {  	_ =	shalt  }
0x6c: {  	_ =	shalt  }
0x6d: {  	_ =	shalt  }
0x6e: {  	_ =	shalt  }
0x6f: {  	_ =	shalt  }
0x70: {  	_ =	shalt  }
0x71: {  	_ =	shalt  }
0x72: {  	_ =	shalt  }
0x73: {  	_ =	shalt  }
0x74: {  	_ =	shalt  }
0x75: {  	_ =	shalt  }
0x76: {  	_ =	shalt  }
0x77: {  	_ =	shalt  }
0x78: {  	_ =	shalt  }
0x79: {  	_ =	shalt  }
0x7a: {  	_ =	shalt  }
0x7b: {  	_ =	shalt  }
0x7c: {  	_ =	shalt  }
0x7d: {  	_ =	shalt  }
0x7e: {  	_ =	shalt  }
0x7f: {  	_ =	shalt  }
0x80: {  	_ =	shalt  }
0x81: {  	_ =	shalt  }
0x82: {  	_ =	shalt  }
0x83: {  	_ =	shalt  }
0x84: {  	_ =	shalt  }
0x85: {  	_ =	shalt  }
0x86: {  	_ =	shalt  }
0x87: {  	_ =	shalt  }
.Lfunc_end0:
.L_simem_size_0:
called_computation.1_lowered:
.L_overlay_start_0:
0x88: {  	s2 =	sld [smem:$0x3FD9]  }
0x89: {  	s3 =	sld [smem:$0x3FFE];
	_ =	sdelay $0x1  }
0x8a: {  	s1 =	srdreg.scid  }
0x8b: {  	s0 =	sand.u32 $0x1, s1  }
0x8c: {  	s15 =	sshll.u32 s0, $0xA;
	s2 =	sadd.s32 s3, s2  }
0x8d: {  	s2 =	sadd.s32 s2, s15  }
0x8e: {  	[smem:$0x3FC4] =	sst s2  }
0x8f: {  	_ = 	snop  }
0x90: {  	s2 =	sld [smem:$0x3FD0];
	_ =	sdelay $0x2  }
0x91: {  	s4 =	simm.s32 $0xB;
	s5 =	simm.s32 $0x10;
	s16 =	sld [smem:$0x3FC6]  }
0x92: {  	[smem:s5], [sflag:s4] =	dma.local [hbm:s2], $0x1  }
0x93: {  	_ =	swait.eq [sflag:s4], $0x1  }
0x94: {  	[sflag:s4] =	ssyncset.done $0x0  }
0x95: {  	s17 =	sld [smem:$0x11];
	[sflag:s4] =	ssyncadd.s32 $0xFFFFFFFF  }
0x96: {  	s18 =	sld [smem:$0x12];
	(tm) =	ssettm $0x1  }
0x97: {  	s19 =	sld [smem:$0x3FFB];
	_ =	sdelay $0x3  }
0x98: {  	_ =	strace s19  }
0x99: {  	s5 =	sld [smem:$0x3FFC];
	_ =	sdelay $0x3  }
0x9a: {  	_ =	strace s5  }
0x9b: {  	s5 =	sld [smem:$0x3FFD];
	_ =	sdelay $0x3  }
0x9c: {  	_ =	strace s5  }
0x9d: {  	_ =	strace $0x8FFFFFFF  }
0x9e: {  	s20 =	sld [smem:$0x3FDB];
	_ =	sdelay $0x1  }
0x9f: {  	s6 =	simm.s32 $_scs_section_size  }
0xa0: {  	s7 =	simm.s32 $_size__tile_overlayer_lowered;
	s8 =	simm.s32 $_tile_overlayer_lowered  }
0xa1: {  	s23 =	simm.s32 $0x1BFF;
	s22 =	sshll.u32 s8, $0x1;
	s5 =	sadd.s32 s6, s20  }
0xa2: {  	s9 =	simm.s32 $0x0;
	s21 =	sshll.u32 s7, $0x1;
	s7 =	sadd.s32 s22, s5  }
0xa3: {  	[timem:s9], [sflag:s23] =	dma.local [hbm:s7], s21  }
0xa4: {  	_ =	swait.ge [sflag:s23], s21  }
0xa5: {  	s6 =	ssub.s32 $0x0, s21;
	[sflag:s23] =	ssyncset.done $0x0  }
0xa6: {  	[sflag:s23] =	ssyncadd.s32 s6;
	_ =	sdelay $0x1  }
0xa7: {  	s24 =	simm.s32 $0x1B8B  }
0xa8: {  	_ =	swait.ge [sflag:s24], $0x1  }
0xa9: {  	[sflag:s24] =	ssyncset.done $0x0  }
0xaa: {  	s25 =	simm.s32 $0x1B8E;
	[sflag:s24] =	ssyncadd.s32 $0xFFFFFFFF  }
0xab: {  	s26 =	simm.s32 $execute0_lowered;
	[smem:$0x3FD2] =	sst s25  }
0xac: {  	s6 =	sshll.u32 s26, $0x1;
	_ =	strace $0x80000046;
	[dreg:$0x1] =	wrdreg $0xFFFFFFFF  }
0xad: {  	s28 =	simm.s32 $_size_execute0_lowered;
	s5 =	sadd.s32 s5, s6;
	[dreg:$0x0] =	wrdreg $0x0  }
0xae: {  	s6 =	sshll.u32 s28, $0x1;
	[dreg:$0x2] =	wrdreg s5  }
0xaf: {  	[dreg:$0x3] =	wrdreg s6  }
0xb0: {  	[dreg:$0x4] =	wrdreg $0xC0  }
0xb1: {  	_ =	task [dreg:s9], $0x5FFFF  }
0xb2: {  	[dreg:$0x1] =	wrdreg $0xFFFFFFFF  }
0xb3: {  	[dreg:$0x0] =	wrdreg $0x60  }
0xb4: {  	[dreg:$0x2] =	wrdreg s16  }
0xb5: {  	[dreg:$0x3] =	wrdreg s18  }
0xb6: {  	[dreg:$0x4] =	wrdreg s17  }
0xb7: {  	[dreg:$0x5] =	wrdreg $0xA  }
0xb8: {  	_ =	task.clear_ibuf [dreg:s9], $0x6FFFF;
	_ =	strace $0x90000046  }
0xb9: {  	s29 =	simm.s32 $0xA;
	_ =	strace $0x80000048  }
0xba: {  	_ =	swait.ge [sflag:s29], $0x1  }
0xbb: {  	[sflag:s29] =	ssyncadd.s32 $0xFFFFFFFF  }
0xbc: {  	_ =	strace $0x90000048  }
0xbd: {  	_ =	sfence  }
0xbe: {  	s30 =	sld [smem:$0x0];
	_ =	sdelay $0x2  }
0xbf: {  	s31 =	sshll.u32 s1, $0xD;
	s1 =	sshrl.u32 s1, $0x2  }
0xc0: {  	s3 =	sand.u32 $0x4000, s31;
	s1 =	sadd.s32 s1, s30  }
0xc1: {  	s0 =	sor.u32 s3, s0;
	s1 =	sshll.u32 s1, $0x11  }
0xc2: {  	s0 =	sor.u32 s1, s0  }
0xc3: {  	s0 =	sadd.s32 $0x8F2B, s0  }
0xc4: {  	[sflag:s0] =	ssyncadd.remote.s32 $0x1  }
0xc5: {  	_ =	sfence.sel $0xFFFF  }
0xc6: {  	[dreg:$0x0] =	wrdreg $0xFFFFFFFF;
	(pc) =	sbr.abs _section_cstart, $3  }
0xc7: {  	[dreg:$0x1] =	wrdreg $0xFFFFFFFF  }
0xc8: {  	_ =	task.clear_ibuf [dreg:s9], $0x2FFFF;
	_ =	strace $0x9FFFFFFF  }
0xc9: {  	(tm) =	ssettm $0x7FFFFFFF  }
tec
execute0_lowered:
.L_overlay_start_1:
0x0: {  	(tag) =	ssettag $0x1  }
0x1: {  	s1 =	srdreg.scid;
	s2 =	rddreg [dreg:$0x0]  }
0x2: {  	s0 =	stileid.u32;
	s3 =	rddreg [dreg:$0x1]  }
0x3: {  	s4 =	rddreg [dreg:$0x2];
	s6 =	simm.s32 $0x1;
	s1 =	sshll.u32 s1, $0x9  }
0x4: {  	s9 =	simm.s32 $0x1;
	s5 =	sshll.u32 s0, $0xA;
	s1 =	sand.u32 $0x200, s1  }
0x5: {  	s10 =	simm.s32 $0x3;
	s13 =	simm.s32 $0x0;
	s5 =	sor.u32 s5, s1  }
0x6: {  	s12 =	simm.s32 $0x0;
	s1 =	rddreg [dreg:$0x3];
	s8 =	ssub.s32 $0x8000, s5  }
.Ltmp0:
0x7: {  	_ =	strace $0x80000047;
	s7 =	sand.u32 $0x3E00, s8;
	(pc) =	sbr.rel .LBB2_1-.Ltmp0, $4  }
0x8: {  	[sflag:s6] =	ssyncpa.u1 $0x0;
	s11 =	smov.u32 s5;
	p0 =	sne.s32 s7, $0x0  }
0x9: {  	s8 =	sshrl.u32 s8, $0xE;
	s7 =	simm.s32 $0x2;
	s9 =	simm.s32 @!p0 $0x0  }
0xa: {  	[sflag:s7] =	ssyncpa.u1 $0x0;
	p0 =	por $0x0, $0x0;
	s8 =	sadd.s32 s9, s8  }
0xb: {  	vm0 =	vmmov $0xffff;
	[sflag:s10] =	ssyncpa.u1 $0x0;
	s10 =	simm.s32 $0x0;
	s9 =	sadd.s32 $0x1, s8  }
.LBB2_4:
0xc: {  	v2 =	vnsel vm1, $0x0, v2  }
0xd: {  	vm1 =	vgt.s32 v0, $0x0;
	v2 =	vmin.u32 v2, $0xFFFF  }
0xe: {  	v0 =	vnsel vm1, $0x0, v0  }
0xf: {  	v0 =	vmin.u32 v0, $0xFFFF  }
0x10: {  	[tilespmem:s15], [sflag:$0x1] =	stream.indirect_vreg.gather [hbm4b:s2+s10], $0x1, v1, vm0, $0x4038;
	[tilespmem:$0x800] =	vst v63  }
0x11: {  	(ifvalue) =	ssetifvalue $0x7FFFFFFF  }
0x12: {  	[tilespmem:s16], [sflag:$0x1] =	stream.indirect_vreg.gather [hbm4b:s2+s10], $0x1, v2, vm0, $0x4038;
	[tilespmem:$0x800] =	vst v63  }
0x13: {  	s29 =	sadd.s32 $0x10, s16;
	(ifvalue) =	ssetifvalue $0x7FFFFFFF  }
0x14: {  	[tilespmem:s29], [sflag:$0x1] =	stream.indirect_vreg.gather [hbm4b:s2+s10], $0x1, v0, vm0, $0x4038;
	[tilespmem:$0x800] =	vst v63  }
0x15: {  	_ =	swait.ge [sflag:s6], $0x200  }
0x16: {  	s30 =	sshrl.u32 s13, $0x3;
	[sflag:s6] =	ssyncset.done $0x0  }
0x17: {  	s31 =	sand.u32 $0x7, s13;
	s15 =	sadd.s32 s4, s30;
	[sflag:s6] =	ssyncadd.s32 $0xFFFFFE00  }
0x18: {  	[hbm4b:s15+s31] =	stream.linear.scatter [tilespmem:s14], [sflag:$0x3], $0x200, $0x38;
	[tilespmem:$0x800] =	vst v63  }
.LBB2_5:
0x19: {  	s15 =	sadd.s32 $0x4000, s11  }
0x1a: {  	p2 =	sgt.s32 s15, $0x7FFF  }
0x1b: {  	s15 =	smov.u32 @p2 s5;
	p2 =	sne.s32 s12, s9  }
.Ltmp1:
0x1c: {  	p1 =	slt.u32 s12, $0x2;
	(pc) =	sbr.rel @!p2 .LBB2_6-.Ltmp1, $4  }
0x1d: {  	s14 =	simm.s32 @!p1 $0x3  }
0x1e: {  	s16 =	sadd.s32 $0x1, s12;
	_ =	swait.ge @!p1 [sflag:s14], $0x200  }
0x1f: {  	s13 =	smov.u32 s11;
	p0 =	por !p0, !p0;
	[sflag:s14] =	ssyncset.done @!p1 $0x0  }
0x20: {  	s12 =	smov.u32 s16;
	s11 =	smov.u32 s15;
	[sflag:s14] =	ssyncadd.s32 @!p1 $0xFFFFFE00  }
.LBB2_1:
0x21: {  	p1 =	sge.u32 s12, s8  }
0x22: {  	s14 =	sxor.u32 @!p1 $0xFFFFFFFF, s12  }
0x23: {  	s31 =	sadd.s32 $0xFFFFFFFF, s12;
	s15 =	sshrl.u32 @!p1 s11, $0x3;
	s14 =	sshll.u32 @!p1 s14, $0x9  }
0x24: {  	s16 =	sand.u32 @!p1 $0x7, s11;
	s15 =	sadd.s32 @!p1 s3, s15;
	s14 =	sand.u32 @!p1 $0x200, s14  }
0x25: {  	[tilespmem:s14], [sflag:$0x2] =	stream.linear.gather @!p1 [hbm4b:s15+s16], $0x200, $0x38;
	[tilespmem:$0x800] =	vst v63  }
0x26: {  	p1 =	sge.u32 s31, s8  }
.Ltmp2:
0x27: {  	_ = 	snop;
	(pc) =	sbr.rel @p1 .LBB2_5-.Ltmp2, $1  }
0x28: {  	_ =	sdelay $0x3  }
0x29: {  	s14 =	simm.s32 $0x1  }
0x2a: {  	_ =	swait.ge [sflag:s7], $0x200;
	s14 =	simm.s32 @!p0 $0x0  }
0x2b: {  	[sflag:s7] =	ssyncset.done $0x0;
	s14 =	sshll.u32 s14, $0x9  }
0x2c: {  	[sflag:s7] =	ssyncadd.s32 $0xFFFFFE00;
	(ifvalue) =	ssetifvalue $0x7FFFFFFF;
	v0 =	vld.msk [tilespmem:s14+$0x0 ss:$0x1], $0xffff;
	_ =	sdelay $0x4  }
0x2d: {  	s15 =	sadd.s32 $0x10, s14;
	vm1 =	vgt.s32 v0, $0x0  }
0x2e: {  	v2 =	vld.msk [tilespmem:s15+$0x0 ss:$0x1], $0xffff;
	v1 =	vnsel vm1, $0x0, v0  }
0x2f: {  	v1 =	vmin.u32 v1, $0xFFFF;
	_ =	sdelay $0x1  }
0x30: {  	s16 =	sshll.u32 s12, $0x9;
	s18 =	simm.s32 $0x20  }
0x31: {  	s16 =	sand.u32 $0x200, s16;
	s17 =	sadd.s32 $0x10, s15;
	s15 =	sor.u32 $0x400, s14  }
0x32: {  	s14 =	sor.u32 $0x400, s16;
	s16 =	sadd.s32 $0x10, s15;
	v0 =	vld.msk [tilespmem:s17+$0x0 ss:$0x1], $0xffff;
	vm1 =	vgt.s32 v2, $0x0;
	(ifvalue) =	ssetifvalue $0x7FFFFFFF  }
.LBB2_3:
0x33: {  	[tilespmem:s15], [sflag:$0x1] =	stream.indirect_vreg.gather [hbm4b:s2+s10], $0x1, v1, vm0, $0x4038;
	[tilespmem:$0x800] =	vst v63  }
0x34: {  	s18 =	sadd.s32 $0x10, s18  }
0x35: {  	v2 =	vnsel vm1, $0x0, v2;
	p1 =	slt.u32 s18, $0x1F0  }
.Ltmp3:
0x36: {  	s15 =	smov.u32 s16;
	v1 =	vmin.u32 v2, $0xFFFF;
	(pc) =	sbr.rel @p1 .LBB2_3-.Ltmp3, $3  }
0x37: {  	_ =	sdelay $0x1  }
0x38: {  	s17 =	sadd.s32 $0x10, s17  }
0x39: {  	vm1 =	vgt.s32 v0, $0x0;
	s16 =	sadd.s32 $0x10, s16;
	v2 =	vmov v0;
	(ifvalue) =	ssetifvalue $0x7FFFFFFF;
	v0 =	vld.msk [tilespmem:s17+$0x0 ss:$0x1], $0xffff  }
.Ltmp4:
0x3a: {  	_ = 	snop;
	(pc) =	sbr.rel .LBB2_4-.Ltmp4, $1  }
0x3b: {  	_ =	sdelay $0x3  }
.LBB2_6:
0x3c: {  	_ =	sfence.sel $0x180000  }
0x3d: {  	s2 =	simm.s32 $0x2;
	[bflag:$0x0] =	sbarrier.arrive $0xFFFF  }
0x3e: {  	s30 =	simm.s32 $0x3;
	[sflag:s2] =	ssyncpa.u1 $0x1  }
0x3f: {  	s31 =	simm.s32 $0x1;
	[sflag:s30] =	ssyncpa.u1 $0x1  }
0x40: {  	[sflag:s31] =	ssyncpa.u1 $0x1  }
0x41: {  	p0 =	sne.s32 s0, $0x0;
	_ =	strace $0x90000047  }
0x42: {  	s0 =	sadd.s32 @!p0 $0x100000, s1;
	[bflag:$0x2] =	sbarrier.arrive $0xFFFF  }
0x43: {  	[sflag:s0] =	ssyncadd.tile.s32 @!p0 $0x1;
	_ =	shalt  }
.Lfunc_end2:
_tile_overlayer_lowered:
.L_overlay_start_2:
0x44: {  	(tag) =	ssettag $0x2  }
0x45: {  	s0 =	rddreg [dreg:$0x0];
	s2 =	stileid.u32  }
0x46: {  	s1 =	rddreg [dreg:$0x1];
	p0 =	sne.s32 s2, $0x0  }
0x47: {  	s3 =	rddreg [dreg:$0x2];
	[bflag:$0x3] =	sbarrier.arrive $0xFFFF;
	s2 =	simm.s32 @!p0 $0x1C01  }
0x48: {  	[timem:s3], [sflag:s2] =	dma.local @!p0 [hbm:s0], s1  }
0x49: {  	s0 =	simm.s32 @!p0 $0x1  }
0x4a: {  	_ =	swait.ge @!p0 [sflag:s0], s1  }
0x4b: {  	s1 =	ssub.s32 @!p0 $0x0, s1;
	[sflag:s0] =	ssyncset.done @!p0 $0x0  }
0x4c: {  	[sflag:s0] =	ssyncadd.s32 @!p0 s1  }
0x4d: {  	[bflag:$0x3] =	sbarrier.arrive $0xFFFF  }
0x4e: {  	_ =	shalt  }

// kernel: gather_offload_async_start
scs
__scs_entry_jumppad:
0x0: {  	(pc) =	sbr.rel $0x88, $3  }
0x1: {  	(tag) =	ssettag $0x0;
	lr =	simm.s32 $0x1  }
0x2: {  	[smem:$0x3F9D] =	sst lr;
	_ =	strace $0xD0000000  }
0x3: {  	_ = 	snop  }
0x4: {  	_ = 	snop  }
0x5: {  	_ = 	snop  }
0x6: {  	_ = 	snop  }
0x7: {  	_ = 	snop  }
__scs_overlays_trampoline_lowered:
0x8: {  	[smem:$0x3FAC] =	sst s0  }
0x9: {  	[smem:$0x3FAD] =	sst s1  }
0xa: {  	[smem:$0x3FAE] =	sst s2  }
0xb: {  	[smem:$0x3FAF] =	sst s3  }
0xc: {  	[smem:$0x3FB0] =	sst s4  }
0xd: {  	[smem:$0x3FB1] =	sst s5  }
0xe: {  	[smem:$0x3FB2] =	sst s6  }
0xf: {  	[smem:$0x3FB3] =	sst s7  }
0x10: {  	[smem:$0x3FB4] =	sst s8  }
0x11: {  	[smem:$0x3FB5] =	sst s9;
	s0 =	simm.s32 @!p0 $0x0  }
0x12: {  	s1 =	sld [smem:$0x3F9B];
	s0 =	simm.s32 @p0 $0x1  }
0x13: {  	[smem:$0x3FB6] =	sst s0;
	s0 =	simm.s32 @!p1 $0x0  }
0x14: {  	s2 =	sld [smem:$0x3F9A];
	s0 =	simm.s32 @p1 $0x1  }
0x15: {  	[smem:$0x3FB7] =	sst s0;
	s0 =	simm.s32 @!p2 $0x0  }
0x16: {  	s3 =	sld [smem:$0x3FDB];
	s0 =	simm.s32 @p2 $0x1  }
0x17: {  	s4 =	simm.s32 $0x1BF5;
	[smem:$0x3FB9] =	sst s0  }
0x18: {  	s0 =	sld [smem:$0x3F9C];
	_ =	swait.ge [sflag:s4], $0x0  }
0x19: {  	s7 =	sld [smem:$0x3F9D]  }
0x1a: {  	s8 =	sadd.s32 $0xFFFFE003, lr  }
0x1b: {  	s9 =	sadd.s32 $0xFFFFFEF7, lr;
	s5 =	simm.s32 $0xFFFFFFFF;
	p2 =	slt.u32 s8, $0xFFFFF086  }
0x1c: {  	p1 =	slt.u32 s9, $0xF7A;
	s5 =	simm.s32 @!p2 $0x0  }
0x1d: {  	s5 =	simm.s32 @p1 $0x1;
	p0 =	seq.s32 s7, s2  }
0x1e: {  	s7 =	smul.u32 @!p0 $0xF7A, s2;
	p2 =	seq.s32 @!p0 s5, $0x0  }
0x1f: {  	s9 =	smul.u32 $0xF7A, s1;
	s8 =	simm.s32 @!p0 $0x1BF5;
	p2 =	por !p2, p0  }
0x20: {  	[sflag:s8] =	ssyncset.s32 @!p0 $0xFFFFF086;
	s6 =	sadd.s32 @!p0 s3, s7;
	s7 =	simm.s32 @!p0 $0x108  }
0x21: {  	s3 =	sadd.s32 s3, s9;
	s6 =	sadd.s32 @!p0 $0x88, s6;
	s7 =	simm.s32 @p2 $0x1082  }
0x22: {  	[simem:s7], [sflag:s8] =	dma.local @!p0 [hbm:s6], $0xF7A  }
0x23: {  	s9 =	sor.u32 $0xD0000000, s2;
	s6 =	simm.s32 $0x108;
	_ =	swait.ge @!p0 [sflag:s8], $0x0  }
0x24: {  	s3 =	sadd.s32 $0x88, s3;
	s6 =	simm.s32 @!p1 $0x1082;
	[sflag:s4] =	ssyncset.s32 $0xFFFFF086  }
0x25: {  	[simem:s6], [sflag:s4] =	dma.local [hbm:s3], $0xF7A  }
0x26: {  	[smem:$0x3F9D] =	sst s1;
	(tag) =	ssettag s2;
	_ =	strace s9  }
0x27: {  	s1 =	sld [smem:$0x3FAD]  }
0x28: {  	s2 =	sld [smem:$0x3FAE]  }
0x29: {  	s4 =	sld [smem:$0x3FB0]  }
0x2a: {  	p0 =	seq.s32 s5, $0x0;
	s5 =	sld [smem:$0x3FB1]  }
0x2b: {  	s6 =	sld [smem:$0x3FB2]  }
0x2c: {  	s7 =	sld [smem:$0x3FB3]  }
0x2d: {  	s3 =	simm.s32 $0x108;
	s8 =	sld [smem:$0x3FB4]  }
0x2e: {  	s3 =	simm.s32 @!p0 $0x1082;
	s9 =	sld [smem:$0x3FB5]  }
0x2f: {  	lr =	sadd.s32 s0, s3;
	s0 =	sld [smem:$0x3FAC]  }
0x30: {  	s3 =	sld [smem:$0x3FAF]  }
0x31: {  	[smem:$0x3FB8] =	sst s10  }
0x32: {  	s10 =	sld [smem:$0x3FB6];
	_ =	sdelay $0x3  }
0x33: {  	p0 =	seq.s32 s10, $0x1;
	s10 =	sld [smem:$0x3FB8];
	_ =	sdelay $0x3  }
0x34: {  	[smem:$0x3FB8] =	sst s10  }
0x35: {  	s10 =	sld [smem:$0x3FB7];
	_ =	sdelay $0x3  }
0x36: {  	p1 =	seq.s32 s10, $0x1;
	s10 =	sld [smem:$0x3FB8];
	_ =	sdelay $0x3  }
0x37: {  	[smem:$0x3FB8] =	sst s10  }
0x38: {  	s10 =	sld [smem:$0x3FB9]  }
0x39: {  	_ = 	snop;
	(pc) =	sbr.ind lr, $3  }
0x3a: {  	_ = 	snop  }
0x3b: {  	_ = 	snop  }
0x3c: {  	p2 =	seq.s32 s10, $0x1;
	s10 =	sld [smem:$0x3FB8]  }
0x3d: {  	_ =	shalt  }
0x3e: {  	_ =	shalt  }
0x3f: {  	_ =	shalt  }
0x40: {  	_ =	shalt  }
0x41: {  	_ =	shalt  }
0x42: {  	_ =	shalt  }
0x43: {  	_ =	shalt  }
0x44: {  	_ =	shalt  }
0x45: {  	_ =	shalt  }
0x46: {  	_ =	shalt  }
0x47: {  	_ =	shalt  }
0x48: {  	_ =	shalt  }
0x49: {  	_ =	shalt  }
0x4a: {  	_ =	shalt  }
0x4b: {  	_ =	shalt  }
0x4c: {  	_ =	shalt  }
0x4d: {  	_ =	shalt  }
0x4e: {  	_ =	shalt  }
0x4f: {  	_ =	shalt  }
0x50: {  	_ =	shalt  }
0x51: {  	_ =	shalt  }
0x52: {  	_ =	shalt  }
0x53: {  	_ =	shalt  }
0x54: {  	_ =	shalt  }
0x55: {  	_ =	shalt  }
0x56: {  	_ =	shalt  }
0x57: {  	_ =	shalt  }
0x58: {  	_ =	shalt  }
0x59: {  	_ =	shalt  }
0x5a: {  	_ =	shalt  }
0x5b: {  	_ =	shalt  }
0x5c: {  	_ =	shalt  }
0x5d: {  	_ =	shalt  }
0x5e: {  	_ =	shalt  }
0x5f: {  	_ =	shalt  }
0x60: {  	_ =	shalt  }
0x61: {  	_ =	shalt  }
0x62: {  	_ =	shalt  }
0x63: {  	_ =	shalt  }
0x64: {  	_ =	shalt  }
0x65: {  	_ =	shalt  }
0x66: {  	_ =	shalt  }
0x67: {  	_ =	shalt  }
0x68: {  	_ =	shalt  }
0x69: {  	_ =	shalt  }
0x6a: {  	_ =	shalt  }
0x6b: {  	_ =	shalt  }
0x6c: {  	_ =	shalt  }
0x6d: {  	_ =	shalt  }
0x6e: {  	_ =	shalt  }
0x6f: {  	_ =	shalt  }
0x70: {  	_ =	shalt  }
0x71: {  	_ =	shalt  }
0x72: {  	_ =	shalt  }
0x73: {  	_ =	shalt  }
0x74: {  	_ =	shalt  }
0x75: {  	_ =	shalt  }
0x76: {  	_ =	shalt  }
0x77: {  	_ =	shalt  }
0x78: {  	_ =	shalt  }
0x79: {  	_ =	shalt  }
0x7a: {  	_ =	shalt  }
0x7b: {  	_ =	shalt  }
0x7c: {  	_ =	shalt  }
0x7d: {  	_ =	shalt  }
0x7e: {  	_ =	shalt  }
0x7f: {  	_ =	shalt  }
0x80: {  	_ =	shalt  }
0x81: {  	_ =	shalt  }
0x82: {  	_ =	shalt  }
0x83: {  	_ =	shalt  }
0x84: {  	_ =	shalt  }
0x85: {  	_ =	shalt  }
0x86: {  	_ =	shalt  }
0x87: {  	_ =	shalt  }
.Lfunc_end0:
.L_simem_size_0:
called_computation_lowered:
.L_overlay_start_0:
0x88: {  	s2 =	sld [smem:$0x3FD9]  }
0x89: {  	s3 =	sld [smem:$0x3FFE];
	_ =	sdelay $0x1  }
0x8a: {  	s1 =	srdreg.scid  }
0x8b: {  	s0 =	sand.u32 $0x1, s1  }
0x8c: {  	s15 =	sshll.u32 s0, $0xA;
	s2 =	sadd.s32 s3, s2  }
0x8d: {  	s2 =	sadd.s32 s2, s15  }
0x8e: {  	[smem:$0x3FC4] =	sst s2  }
0x8f: {  	_ = 	snop  }
0x90: {  	s2 =	sld [smem:$0x3FD0];
	_ =	sdelay $0x2  }
0x91: {  	s16 =	simm.s32 $0xB;
	s4 =	simm.s32 $0x10  }
0x92: {  	[smem:s4], [sflag:s16] =	dma.local [hbm:s2], $0x1  }
0x93: {  	_ =	swait.eq [sflag:s16], $0x1  }
0x94: {  	[sflag:s16] =	ssyncset.done $0x0  }
0x95: {  	[sflag:s16] =	ssyncadd.s32 $0xFFFFFFFF  }
0x96: {  	s17 =	sld [smem:$0x12];
	(tm) =	ssettm $0x1  }
0x97: {  	s18 =	sld [smem:$0x3FFB];
	_ =	sdelay $0x3  }
0x98: {  	_ =	strace s18  }
0x99: {  	s2 =	sld [smem:$0x3FFC];
	_ =	sdelay $0x3  }
0x9a: {  	_ =	strace s2  }
0x9b: {  	s2 =	sld [smem:$0x3FFD];
	_ =	sdelay $0x3  }
0x9c: {  	_ =	strace s2  }
0x9d: {  	_ =	strace $0x8FFFFFFF  }
0x9e: {  	s19 =	sld [smem:$0x3FDB];
	_ =	sdelay $0x1  }
0x9f: {  	s20 =	simm.s32 $_scs_section_size  }
0xa0: {  	s5 =	simm.s32 $_size__tile_overlayer_lowered;
	s6 =	simm.s32 $_tile_overlayer_lowered  }
0xa1: {  	s7 =	simm.s32 $0x1BFF;
	s21 =	sshll.u32 s6, $0x1;
	s4 =	sadd.s32 s20, s19  }
0xa2: {  	s22 =	simm.s32 $0x0;
	s5 =	sshll.u32 s5, $0x1;
	s6 =	sadd.s32 s21, s4  }
0xa3: {  	[timem:s22], [sflag:s7] =	dma.local [hbm:s6], s5  }
0xa4: {  	_ =	swait.ge [sflag:s7], s5  }
0xa5: {  	s5 =	ssub.s32 $0x0, s5;
	[sflag:s7] =	ssyncset.done $0x0  }
0xa6: {  	[sflag:s7] =	ssyncadd.s32 s5;
	_ =	sdelay $0x1  }
0xa7: {  	s23 =	simm.s32 $0x1B8B  }
0xa8: {  	_ =	swait.ge [sflag:s23], $0x1  }
0xa9: {  	[sflag:s23] =	ssyncset.done $0x0  }
0xaa: {  	[sflag:s23] =	ssyncadd.s32 $0xFFFFFFFF  }
0xab: {  	s5 =	sld [smem:$0x0]  }
0xac: {  	s6 =	sand.u32 $0xFFFFFFFE, s1  }
0xad: {  	p0 =	sne.s32 s1, s6  }
0xae: {  	s6 =	sshll.u32 @p0 s6, $0xE  }
0xaf: {  	s6 =	sadd.s32 @p0 $0x11B8D, s6;
	s7 =	sshll.u32 @p0 s5, $0x11  }
0xb0: {  	s6 =	sor.u32 @p0 s7, s6  }
0xb1: {  	[sflag:s6] =	ssyncadd.remote.s32 @p0 $0x1;
	_ =	sdelay $0x1  }
0xb2: {  	s6 =	simm.s32 @p0 $0x1B8D  }
0xb3: {  	_ =	swait.eq @p0 [sflag:s6], $0x1  }
0xb4: {  	[sflag:s6] =	ssyncadd.s32 @p0 $0xFFFFFFFF  }
0xb5: {  	s7 =	sshll.u32 @!p0 s1, $0xE  }
0xb6: {  	s7 =	sor.u32 @!p0 $0x4000, s7;
	s6 =	simm.s32 @!p0 $0x1B8D  }
0xb7: {  	s5 =	sshll.u32 @!p0 s5, $0x11;
	s7 =	sadd.s32 @!p0 $0x11B8D, s7;
	_ =	swait.eq @!p0 [sflag:s6], $0x1  }
0xb8: {  	s5 =	sor.u32 @!p0 s5, s7;
	[sflag:s6] =	ssyncadd.s32 @!p0 $0xFFFFFFFF  }
0xb9: {  	s25 =	simm.s32 $0x1B8E;
	s24 =	sld [smem:$0x3FFE];
	[sflag:s5] =	ssyncadd.remote.s32 @!p0 $0x1  }
0xba: {  	s26 =	simm.s32 $execute0_lowered;
	[smem:$0x3FD2] =	sst s25  }
0xbb: {  	s6 =	sshll.u32 s26, $0x1;
	_ =	strace $0x80000049;
	[dreg:$0x1] =	wrdreg $0xFFFFFFFF  }
0xbc: {  	s28 =	simm.s32 $_size_execute0_lowered;
	s4 =	sadd.s32 s4, s6;
	[dreg:$0x0] =	wrdreg $0x0  }
0xbd: {  	s6 =	sshll.u32 s28, $0x1;
	[dreg:$0x2] =	wrdreg s4  }
0xbe: {  	[dreg:$0x3] =	wrdreg s6  }
0xbf: {  	[dreg:$0x4] =	wrdreg $0xC0  }
0xc0: {  	_ =	task [dreg:s22], $0x5FFFF  }
0xc1: {  	[dreg:$0x1] =	wrdreg $0xFFFFFFFF  }
0xc2: {  	[dreg:$0x0] =	wrdreg $0x60  }
0xc3: {  	[dreg:$0x2] =	wrdreg s24  }
0xc4: {  	[dreg:$0x3] =	wrdreg s17  }
0xc5: {  	[dreg:$0x4] =	wrdreg $0x9  }
0xc6: {  	_ =	task.clear_ibuf [dreg:s22], $0x5FFFF;
	_ =	strace $0x90000049  }
0xc7: {  	s29 =	simm.s32 $0x9;
	_ =	strace $0x8000004B  }
0xc8: {  	_ =	swait.ge [sflag:s29], $0x1  }
0xc9: {  	[sflag:s29] =	ssyncadd.s32 $0xFFFFFFFF  }
0xca: {  	_ =	strace $0x9000004B  }
0xcb: {  	_ =	sfence  }
0xcc: {  	s30 =	sld [smem:$0x0];
	_ =	sdelay $0x2  }
0xcd: {  	s31 =	sshll.u32 s1, $0xD;
	s1 =	sshrl.u32 s1, $0x2  }
0xce: {  	s4 =	sand.u32 $0x4000, s31;
	s1 =	sadd.s32 s1, s30  }
0xcf: {  	s0 =	sor.u32 s4, s0;
	s1 =	sshll.u32 s1, $0x11  }
0xd0: {  	s0 =	sor.u32 s1, s0  }
0xd1: {  	s0 =	sadd.s32 $0x8F2B, s0  }
0xd2: {  	[sflag:s0] =	ssyncadd.remote.s32 $0x1  }
0xd3: {  	_ =	sfence.sel $0xFFFF  }
0xd4: {  	[dreg:$0x0] =	wrdreg $0xFFFFFFFF;
	(pc) =	sbr.abs _section_cstart, $3  }
0xd5: {  	[dreg:$0x1] =	wrdreg $0xFFFFFFFF  }
0xd6: {  	_ =	task.clear_ibuf [dreg:s22], $0x2FFFF;
	_ =	strace $0x9FFFFFFF  }
0xd7: {  	(tm) =	ssettm $0x7FFFFFFF  }
tec
execute0_lowered:
.L_overlay_start_1:
0x0: {  	(tag) =	ssettag $0x1  }
0x1: {  	s2 =	rddreg [dreg:$0x0]  }
0x2: {  	s3 =	rddreg [dreg:$0x1]  }
0x3: {  	s0 =	rddreg [dreg:$0x2];
	s1 =	srdreg.scid;
	_ =	strace $0x8000004A  }
0x4: {  	s4 =	simm.s32 $0x1;
	s9 =	simm.s32 $0x3;
	s5 =	sshll.u32 s1, $0x4  }
.Ltmp0:
0x5: {  	s1 =	stileid.u32;
	s5 =	sand.u32 $0x10, s5;
	(pc) =	sbr.rel .LBB2_1-.Ltmp0, $4  }
0x6: {  	s11 =	simm.s32 $0x0;
	p0 =	por $0x0, $0x0;
	s6 =	sor.u32 s1, s5  }
0x7: {  	[sflag:s4] =	ssyncpa.u1 $0x0;
	s5 =	simm.s32 $0x2;
	s6 =	sshll.u32 s6, $0xA  }
0x8: {  	s7 =	sadd.s32 $0x104000, s2;
	[sflag:s5] =	ssyncpa.u1 $0x0;
	s8 =	sadd.s32 $0x400, s6  }
0x9: {  	vm0 =	vmmov $0xff;
	vm1 =	vcmask $0x3F20;
	[sflag:s9] =	ssyncpa.u1 $0x0;
	s10 =	smov.u32 s6;
	s9 =	simm.s32 $0x0  }
.LBB2_7:
0xa: {  	p1 =	slt.u32 s9, $0x2;
	s11 =	sadd.s32 $0x100, s10  }
0xb: {  	s13 =	smov.u32 s6;
	s9 =	sadd.s32 $0x1, s9;
	p2 =	slt.s32 s11, s8  }
0xc: {  	s13 =	smov.u32 @p2 s11;
	p2 =	sne.s32 s9, $0x6  }
.Ltmp1:
0xd: {  	_ = 	snop;
	(pc) =	sbr.rel @!p2 .LBB2_8-.Ltmp1, $4  }
0xe: {  	s12 =	simm.s32 @!p1 $0x3  }
0xf: {  	_ =	swait.ge @!p1 [sflag:s12], $0x8000  }
0x10: {  	p0 =	por !p0, !p0;
	[sflag:s12] =	ssyncset.done @!p1 $0x0  }
0x11: {  	s11 =	smov.u32 s10;
	s10 =	smov.u32 s13;
	[sflag:s12] =	ssyncadd.s32 @!p1 $0xFFFF8000  }
.LBB2_1:
0x12: {  	p1 =	sgt.u32 s9, $0x3  }
0x13: {  	s12 =	sxor.u32 @!p1 $0xFFFFFFFF, s9  }
0x14: {  	s13 =	sshrl.u32 @!p1 s10, $0x3;
	s12 =	sshll.u32 @!p1 s12, $0x8  }
0x15: {  	s14 =	sand.u32 @!p1 $0x7, s10;
	s13 =	sadd.s32 @!p1 s3, s13;
	s12 =	sand.u32 @!p1 $0x100, s12  }
0x16: {  	[tilespmem:s12], [sflag:$0x2] =	stream.linear.gather @!p1 [hbm4b:s13+s14], $0x100, $0x38;
	[tilespmem:$0x10200] =	vst v63  }
0x17: {  	p1 =	seq.s32 s9, $0x0  }
0x18: {  	p2 =	seq.s32 @!p1 s9, $0x5  }
0x19: {  	p1 =	por p1, p2  }
.Ltmp2:
0x1a: {  	_ = 	snop;
	(pc) =	sbr.rel @p1 .LBB2_7-.Ltmp2, $1  }
0x1b: {  	_ =	sdelay $0x3  }
0x1c: {  	s12 =	simm.s32 $0x1  }
0x1d: {  	_ =	swait.ge [sflag:s5], $0x100;
	s12 =	simm.s32 @!p0 $0x0  }
0x1e: {  	[sflag:s5] =	ssyncset.done $0x0;
	s14 =	sshll.u32 s12, $0x8  }
0x1f: {  	[sflag:s5] =	ssyncadd.s32 $0xFFFFFF00;
	s13 =	sadd.s32 $0x0, s14  }
0x20: {  	v0 =	vld.msk [tilespmem:s13+$0x0 ss:$0x1], $0xffff;
	_ =	sdelay $0x4  }
0x21: {  	vm2 =	vgt.s32 v0, $0x0  }
0x22: {  	v0 =	vnsel vm2, $0x0, v0  }
0x23: {  	v0 =	vmin.u32 v0, $0xFFFF  }
0x24: {  	v0 =	vshll.u32 v0, $0x4;
	_ =	sdelay $0x2  }
0x25: {  	s12 =	sshll.u32 s12, $0xF  }
0x26: {  	s12 =	sor.u32 $0x200, s12  }
0x27: {  	[tilespmem:s12], [sflag:$0x1] =	stream.indirect_vreg.gather [hbm:s2], $0x80, v0, vm0, $0x38;
	[tilespmem:$0x10200] =	vst v63  }
0x28: {  	s15 =	sadd.s32 $0x10, s14;
	s13 =	sadd.s32 $0x400, s12  }
0x29: {  	[tilespmem:s13], [sflag:$0x1] =	stream.indirect_vreg.gather [hbm:s2], $0x80, v0, vm1, $0x38;
	[tilespmem:$0x10200] =	vst v63  }
0x2a: {  	s16 =	simm.s32 $0x80;
	v0 =	vld.msk [tilespmem:s15+$0x0 ss:$0x1], $0xffff;
	s15 =	smov.u32 s12  }
.LBB2_3:
0x2b: {  	p1 =	sne.s32 s16, $0x3C0;
	_ =	sdelay $0x4  }
0x2c: {  	vm2 =	vgt.s32 v0, $0x0  }
0x2d: {  	v0 =	vnsel vm2, $0x0, v0  }
0x2e: {  	v0 =	vmin.u32 v0, $0xFFFF  }
0x2f: {  	v0 =	vshll.u32 v0, $0x4;
	_ =	sdelay $0x3  }
.Ltmp3:
0x30: {  	s17 =	sshra.s32 s16, $0x2;
	s15 =	sadd.s32 $0x800, s15;
	(pc) =	sbr.rel @p1 .LBB2_3-.Ltmp3, $4  }
0x31: {  	[tilespmem:s15], [sflag:$0x1] =	stream.indirect_vreg.gather [hbm:s2], $0x80, v0, vm0, $0x38;
	[tilespmem:$0x10200] =	vst v63  }
0x32: {  	s17 =	sadd.s32 s17, s14;
	s18 =	sadd.s32 $0x400, s15  }
0x33: {  	[tilespmem:s18], [sflag:$0x1] =	stream.indirect_vreg.gather [hbm:s2], $0x80, v0, vm1, $0x38;
	[tilespmem:$0x10200] =	vst v63  }
0x34: {  	s16 =	sadd.s32 $0x40, s16;
	v0 =	vld.msk [tilespmem:s17+$0x0 ss:$0x1], $0xffff  }
0x35: {  	_ =	sdelay $0x3  }
0x36: {  	vm2 =	vgt.s32 v0, $0x0  }
0x37: {  	v0 =	vnsel vm2, $0x0, v0  }
0x38: {  	v0 =	vmin.u32 v0, $0xFFFF  }
0x39: {  	v0 =	vshll.u32 v0, $0x4;
	_ =	sdelay $0x3  }
0x3a: {  	s14 =	sadd.s32 $0x800, s15  }
0x3b: {  	[tilespmem:s14], [sflag:$0x1] =	stream.indirect_vreg.gather [hbm:s2], $0x80, v0, vm0, $0x38;
	[tilespmem:$0x10200] =	vst v63  }
0x3c: {  	s14 =	sadd.s32 $0x400, s14  }
0x3d: {  	[tilespmem:s14], [sflag:$0x1] =	stream.indirect_vreg.gather [hbm:s2], $0x80, v0, vm1, $0x38;
	[tilespmem:$0x10200] =	vst v63  }
0x3e: {  	s11 =	sshll.u32 s11, $0x4;
	_ =	swait.ge [sflag:s4], $0x8000  }
0x3f: {  	s11 =	sadd.s32 s11, s7;
	[sflag:s4] =	ssyncset.done $0x0  }
0x40: {  	s15 =	sadd.s32 $0x0, s11;
	s14 =	simm.s32 $0x80;
	[sflag:s4] =	ssyncadd.s32 $0xFFFF8000  }
.LBB2_5:
0x41: {  	[hbm:s15] =	stream.linear.scatter [tilespmem:s12], [sflag:$0x3], $0x400, $0x38;
	[tilespmem:$0x10200] =	vst v63  }
0x42: {  	s15 =	smov.u32 s14;
	s12 =	smov.u32 s13;
	p1 =	sne.s32 s14, $0xF80  }
.Ltmp4:
0x43: {  	s14 =	sadd.s32 $0x80, s14;
	(pc) =	sbr.rel @p1 .LBB2_5-.Ltmp4, $2  }
0x44: {  	_ =	sdelay $0x2  }
0x45: {  	s13 =	sadd.s32 $0x400, s13;
	s15 =	sadd.s32 s15, s11  }
.Ltmp5:
0x46: {  	(pc) =	sbr.rel .LBB2_7-.Ltmp5, $2  }
0x47: {  	_ =	sdelay $0x2  }
0x48: {  	[hbm:s15] =	stream.linear.scatter [tilespmem:s12], [sflag:$0x3], $0x400, $0x38;
	[tilespmem:$0x10200] =	vst v63  }
.LBB2_8:
0x49: {  	_ =	sfence.sel $0x180000  }
0x4a: {  	s2 =	simm.s32 $0x2;
	[bflag:$0x0] =	sbarrier.arrive $0xFFFF  }
0x4b: {  	s30 =	simm.s32 $0x3;
	[sflag:s2] =	ssyncpa.u1 $0x1  }
0x4c: {  	s31 =	simm.s32 $0x1;
	[sflag:s30] =	ssyncpa.u1 $0x1  }
0x4d: {  	[sflag:s31] =	ssyncpa.u1 $0x1  }
0x4e: {  	p0 =	sne.s32 s1, $0x0;
	_ =	strace $0x9000004A  }
0x4f: {  	s0 =	sadd.s32 @!p0 $0x100000, s0;
	[bflag:$0x2] =	sbarrier.arrive $0xFFFF  }
0x50: {  	[sflag:s0] =	ssyncadd.tile.s32 @!p0 $0x1;
	_ =	shalt  }
.Lfunc_end2:
_tile_overlayer_lowered:
.L_overlay_start_2:
0x51: {  	(tag) =	ssettag $0x2  }
0x52: {  	s0 =	rddreg [dreg:$0x0];
	s2 =	stileid.u32  }
0x53: {  	s1 =	rddreg [dreg:$0x1];
	p0 =	sne.s32 s2, $0x0  }
0x54: {  	s3 =	rddreg [dreg:$0x2];
	[bflag:$0x3] =	sbarrier.arrive $0xFFFF;
	s2 =	simm.s32 @!p0 $0x1C01  }
0x55: {  	[timem:s3], [sflag:s2] =	dma.local @!p0 [hbm:s0], s1  }
0x56: {  	s0 =	simm.s32 @!p0 $0x1  }
0x57: {  	_ =	swait.ge @!p0 [sflag:s0], s1  }
0x58: {  	s1 =	ssub.s32 @!p0 $0x0, s1;
	[sflag:s0] =	ssyncset.done @!p0 $0x0  }
0x59: {  	[sflag:s0] =	ssyncadd.s32 @!p0 s1  }
0x5a: {  	[bflag:$0x3] =	sbarrier.arrive $0xFFFF  }
0x5b: {  	_ =	shalt  }

</sc_bundles>
